<compile_context>
chip_gen: v7x
topology: tpu7x:2x2x1
jax: 0.10.2.dev20260603
libtpu: 0.0.44.dev20260713+nightly
codegen_flags: <defaults>
</compile_context>

<pallas_src>
import jax
import jax.numpy as jnp
from jax import lax
from jax.experimental import pallas as pl
from jax.experimental.pallas import tpu as pltpu
from jax.experimental.pallas import tpu_sc as plsc
from jax._src.pallas import mpmd as _plmpmd

_T, _H, _D = 2048, 8, 128
_NB, _BS = 2048, 16
_S = _NB * _BS
_NW = 32
_TPW = _T // _NW
_CH = _T // 16
_TB = 11


def _scatter_body(key_hbm, val_hbm, slots_hbm, kc_in, vc_in, kc_hbm, vc_hbm,
                  slots_v, wtable_v, myslots_v, mytoks_v,
                  rows_a, rows_b, gsem_a, gsem_b, psem_a, psem_b):
  del kc_in, vc_in
  c = lax.axis_index("c")
  s = lax.axis_index("s")
  wid = s * 2 + c
  base = wid * _TPW

  pltpu.sync_copy(slots_hbm, slots_v)

  lanes = lax.iota(jnp.int32, 16)

  @pl.loop(0, _CH)
  def _build(j):
    vs = slots_v[pl.ds(j * 16, 16)]
    comp = jnp.sort(vs * (2 ** _TB) + (j * 16 + lanes))
    svs = lax.shift_right_logical(comp, _TB)
    svt = jnp.bitwise_and(comp, 2 ** _TB - 1)
    nxt = svs.at[jnp.minimum(lanes + 1, 15)].get(mode="promise_in_bounds")
    keep = jnp.logical_or(svs != nxt, lanes == 15)
    plsc.store_scatter(wtable_v, [svs], svt, mask=keep)

  for j in range(_TPW // 16):
    vs = slots_v[pl.ds(base + j * 16, 16)]
    myslots_v.at[j // 2][pl.ds((j % 2) * 16, 16)] = vs
    mytoks_v.at[j // 2][pl.ds((j % 2) * 16, 16)] = (
        plsc.load_gather(wtable_v, [vs]))

  legs = [
      (key_hbm, kc_hbm, 0, rows_a, gsem_a, psem_a),
      (key_hbm, kc_hbm, 1, rows_b, gsem_b, psem_b),
      (val_hbm, vc_hbm, 0, rows_a, gsem_a, psem_a),
      (val_hbm, vc_hbm, 1, rows_b, gsem_b, psem_b),
  ]

  def _gather(i):
    src, _, h, buf, gsem, _ = legs[i]
    return pltpu.make_async_copy(src.at[mytoks_v.at[h]], buf, gsem)

  def _scatter(i):
    _, dst, h, buf, _, psem = legs[i]
    return pltpu.make_async_copy(buf, dst.at[myslots_v.at[h]], psem)

  _gather(0).start()
  _gather(1).start()
  for i in range(4):
    _gather(i).wait()
    _scatter(i).start()
    if i + 2 < 4:
      _scatter(i).wait()
      _gather(i + 2).start()
  _scatter(2).wait()
  _scatter(3).wait()


def kernel(key, value, key_cache, value_cache, slot_mapping, k_scale, v_scale):
  del k_scale, v_scale
  kc3 = key_cache.reshape(_S, _H, _D)
  vc3 = value_cache.reshape(_S, _H, _D)

  mesh = plsc.VectorSubcoreMesh(core_axis_name="c", subcore_axis_name="s")
  scatter = _plmpmd._mpmd_map(
      [(mesh, _scatter_body)],
      out_types=[
          jax.ShapeDtypeStruct((_S, _H, _D), jnp.float32),
          jax.ShapeDtypeStruct((_S, _H, _D), jnp.float32),
      ],
      input_output_aliases={3: 0, 4: 1},
      scratch_types=[
          pltpu.VMEM((_T,), jnp.int32),
          pltpu.VMEM((_S,), jnp.int32),
          pltpu.VMEM((2, _TPW // 2), jnp.int32),
          pltpu.VMEM((2, _TPW // 2), jnp.int32),
          pltpu.VMEM((_TPW // 2, _H, _D), jnp.float32),
          pltpu.VMEM((_TPW // 2, _H, _D), jnp.float32),
          pltpu.SemaphoreType.DMA,
          pltpu.SemaphoreType.DMA,
          pltpu.SemaphoreType.DMA,
          pltpu.SemaphoreType.DMA,
      ],
      compiler_params=pltpu.CompilerParams(
          needs_layout_passes=False,
          use_tc_tiling_on_sc=True,
      ),
  )
  kc_out, vc_out = scatter(key, value, slot_mapping, kc3, vc3)
  return (kc_out.reshape(_NB, _BS, _H, _D), vc_out.reshape(_NB, _BS, _H, _D))

# --- scband reference (transcript-rebuilt; emitter-appended) ---
"""Pipeline reference for scband-model-70471823392997 (READ-ONLY COPY).

The authoritative reference and input builder live on the scoring server;
editing this copy changes nothing except your own understanding.
"""

import jax, jax.numpy as jnp
import numpy as np

T, H, D = 2048, 8, 128
NB, BS = 2048, 16

def setup_inputs() -> dict:
    k0 = jax.random.key(0)
    ks = jax.random.split(k0, 3)
    key = jax.random.normal(ks[0], (T, H, D), dtype=jnp.float32)
    value = jax.random.normal(ks[1], (T, H, D), dtype=jnp.float32)
    key_cache = jnp.zeros((NB, BS, H, D), dtype=jnp.float32)
    value_cache = jnp.zeros((NB, BS, H, D), dtype=jnp.float32)
    slot_mapping = jax.random.randint(ks[2], (T,), 0, NB * BS, dtype=jnp.int32)
    k_scale = jnp.ones((1,), dtype=jnp.float32)
    v_scale = jnp.ones((1,), dtype=jnp.float32)
    return {"key": key, "value": value, "key_cache": key_cache, "value_cache": value_cache, "slot_mapping": slot_mapping, "k_scale": k_scale, "v_scale": v_scale}

def reference(key, value, key_cache, value_cache, slot_mapping, k_scale, v_scale):
    # kv_cache_dtype == 'auto' -> FP8_KV_CACHE is False, scales unused
    block_size = key_cache.shape[1]
    block_idx = slot_mapping // block_size
    block_offset = slot_mapping % block_size
    # slot_idx < 0 tokens are skipped in the kernel; mode='drop' replicates
    # that since negative slots yield negative block_idx (floor division)
    key_cache = key_cache.at[block_idx, block_offset].set(key, mode='drop')
    value_cache = value_cache.at[block_idx, block_offset].set(value, mode='drop')
    return (key_cache, value_cache)

if __name__ == "__main__":
    import jax
    _d = setup_inputs()
    print(jax.jit(kernel)(*tuple(_d.values())))

</pallas_src>

<mosaic_0001>
#map = affine_map<(d0, d1) -> (0, 0, 0)>
#map1 = affine_map<(d0, d1) -> (0)>
module attributes {stable_mosaic.version = 14 : i64} {
  func.func @_scatter_body(%arg0: i32, %arg1: i32, %arg2: memref<2048x8x128xf32, #tpu.memory_space<hbm>>, %arg3: memref<2048x8x128xf32, #tpu.memory_space<hbm>>, %arg4: memref<2048xi32, #tpu.memory_space<hbm>>, %arg5: memref<32768x8x128xf32, #tpu.memory_space<hbm>>, %arg6: memref<32768x8x128xf32, #tpu.memory_space<hbm>>, %arg7: memref<32768x8x128xf32, #tpu.memory_space<hbm>>, %arg8: memref<32768x8x128xf32, #tpu.memory_space<hbm>>, %arg9: memref<2048xi32, #tpu.memory_space<vmem>>, %arg10: memref<32768xi32, #tpu.memory_space<vmem>>, %arg11: memref<2x32xi32, #tpu.memory_space<vmem>>, %arg12: memref<2x32xi32, #tpu.memory_space<vmem>>, %arg13: memref<32x8x128xf32, #tpu.memory_space<vmem>>, %arg14: memref<32x8x128xf32, #tpu.memory_space<vmem>>, %arg15: memref<!tpu.dma_semaphore, #tpu.memory_space<semaphore_mem>>, %arg16: memref<!tpu.dma_semaphore, #tpu.memory_space<semaphore_mem>>, %arg17: memref<!tpu.dma_semaphore, #tpu.memory_space<semaphore_mem>>, %arg18: memref<!tpu.dma_semaphore, #tpu.memory_space<semaphore_mem>>) attributes {dimension_semantics = [#tpu.dimension_semantics<core_parallel>, #tpu.dimension_semantics<subcore_parallel>], iteration_bounds = array<i64: 2, 16>, scalar_prefetch = 0 : i64, scratch_operands = 10 : i64, tpu.core_type = #tpu.core_type<sc_vector_subcore>, window_params = [{transform_indices = #map}, {transform_indices = #map}, {transform_indices = #map1}, {transform_indices = #map}, {transform_indices = #map}, {transform_indices = #map}, {transform_indices = #map}]} {
    %mul3A = arith.constant 2 : i32
    %mul3A_0 = arith.muli %arg1, %mul3A : i32
    %add3A = arith.addi %mul3A_0, %arg0 : i32
    %mul3A_1 = arith.constant 64 : i32
    %mul3A_2 = arith.muli %add3A, %mul3A_1 : i32
    "tpu.region"() ({
      %run_scoped3A = tpu.sem_alloc : memref<!tpu.dma_semaphore, #tpu.memory_space<semaphore_mem>>
      tpu.enqueue_dma source(%arg4 : memref<2048xi32, #tpu.memory_space<hbm>>) target(%arg9 : memref<2048xi32, #tpu.memory_space<vmem>>) target_semaphore(%run_scoped3A : memref<!tpu.dma_semaphore, #tpu.memory_space<semaphore_mem>>)
      tpu.wait_dma2 semaphore(%run_scoped3A : memref<!tpu.dma_semaphore, #tpu.memory_space<semaphore_mem>>) src(%arg4 : memref<2048xi32, #tpu.memory_space<hbm>>) dst(%arg9 : memref<2048xi32, #tpu.memory_space<vmem>>)
      tpu.yield
    }) : () -> ()
    %iota3A = tpu.iota {dimensions = array<i32: 0>} : vector<16xi32>
    %scan3A = arith.constant 0 : i32
    %scan3A_3 = arith.constant 128 : i32
    %scan3A_4 = arith.addi %scan3A, %scan3A_3 : i32
    %scan3A_5 = arith.constant 1 : i32
    scf.for %scan3A_198 = %scan3A to %scan3A_4 step %scan3A_5  : i32 {
      %mul3A_199 = arith.constant 1 : i32
      %mul3A_200 = arith.muli %scan3A_198, %mul3A_199 : i32
      %add3A_201 = arith.constant 0 : i32
      %add3A_202 = arith.addi %add3A_201, %mul3A_200 : i32
      %mul3A_203 = arith.constant 16 : i32
      %mul3A_204 = arith.muli %add3A_202, %mul3A_203 : i32
      %get3A_205 = arith.index_cast %mul3A_204 : i32 to index
      %get3A_206 = tpu.vector_load %arg9[%get3A_205] {strides = array<i32>} : memref<2048xi32, #tpu.memory_space<vmem>>, vector<16xi32>,
      %mul3A_207 = arith.constant 2048 : i32
      %mul3A_208 = vector.broadcast %mul3A_207 : i32 to vector<16xi32>
      %mul3A_209 = arith.muli %get3A_206, %mul3A_208 : vector<16xi32>
      %mul3A_210 = arith.constant 16 : i32
      %mul3A_211 = arith.muli %add3A_202, %mul3A_210 : i32
      %add3A_212 = vector.broadcast %mul3A_211 : i32 to vector<16xi32>
      %add3A_213 = arith.addi %add3A_212, %iota3A : vector<16xi32>
      %add3A_214 = arith.addi %mul3A_209, %add3A_213 : vector<16xi32>
      %sort3A = arith.constant dense<true> : vector<16xi1>
      %sort3A_215, %sort3A_216, %sort3A_217 = tpu.sort %add3A_214, %add3A_214 masked %sort3A : (vector<16xi32>, vector<16xi32>, vector<16xi1>) -> (vector<16xi1>, vector<16xi32>, vector<16xi32>)
      %shift_right_logical3A = arith.constant 11 : i32
      %shift_right_logical3A_218 = vector.broadcast %shift_right_logical3A : i32 to vector<16xi32>
      %shift_right_logical3A_219 = arith.shrui %sort3A_216, %shift_right_logical3A_218 : vector<16xi32>
      %and3A = arith.constant 2047 : i32
      %and3A_220 = vector.broadcast %and3A : i32 to vector<16xi32>
      %and3A_221 = arith.andi %sort3A_216, %and3A_220 : vector<16xi32>
      %add3A_222 = arith.constant 1 : i32
      %add3A_223 = vector.broadcast %add3A_222 : i32 to vector<16xi32>
      %add3A_224 = arith.addi %iota3A, %add3A_223 : vector<16xi32>
      %min3A = arith.constant 15 : i32
      %min3A_225 = vector.broadcast %min3A : i32 to vector<16xi32>
      %min3A_226 = arith.minsi %add3A_224, %min3A_225 : vector<16xi32>
      %lt3A = arith.constant 0 : i32
      %lt3A_227 = vector.broadcast %lt3A : i32 to vector<16xi32>
      %lt3A_228 = arith.cmpi slt, %min3A_226, %lt3A_227 : vector<16xi32>
      %add3A_229 = arith.constant 16 : i32
      %add3A_230 = vector.broadcast %add3A_229 : i32 to vector<16xi32>
      %add3A_231 = arith.addi %min3A_226, %add3A_230 : vector<16xi32>
      %select_n3A = arith.select %lt3A_228, %add3A_231, %min3A_226 : vector<16xi1>, vector<16xi32>
      %broadcast_in_dim3A = vector.shape_cast %select_n3A : vector<16xi32> to vector<16x1xi32>
      %gather3A_232 = vector.shape_cast %broadcast_in_dim3A : vector<16x1xi32> to vector<16xi32>
      %gather3A_233 = tpu.dynamic_gather %shift_right_logical3A_219[%gather3A_232] in [0] : vector<16xi32>, vector<16xi32> -> vector<16xi32>
      %ne3A = arith.cmpi ne, %shift_right_logical3A_219, %gather3A_233 : vector<16xi32>
      %eq3A = arith.constant 15 : i32
      %eq3A_234 = vector.broadcast %eq3A : i32 to vector<16xi32>
      %eq3A_235 = arith.cmpi eq, %iota3A, %eq3A_234 : vector<16xi32>
      %or3A = arith.ori %ne3A, %eq3A_235 : vector<16xi1>
      tpu.vector_store_idx %arg10[%shift_right_logical3A_219], %and3A_221 masked %or3A : memref<32768xi32, #tpu.memory_space<vmem>>[vector<16xi32>], vector<16xi32>, vector<16xi1>
    }
    %scan3A_6 = arith.constant 128 : i32
    %add3A_7 = arith.constant 0 : i32
    %add3A_8 = arith.addi %mul3A_2, %add3A_7 : i32
    %get3A = arith.index_cast %add3A_8 : i32 to index
    %get3A_9 = tpu.vector_load %arg9[%get3A] {strides = array<i32>} : memref<2048xi32, #tpu.memory_space<vmem>>, vector<16xi32>,
    %swap3A = arith.constant 0 : i32
    %swap3A_10 = arith.constant 0 : i32
    %swap3A_11 = tpu.memref_slice %arg11[%swap3A, %swap3A_10] : memref<2x32xi32, #tpu.memory_space<vmem>> -> memref<1x32xi32, #tpu.memory_space<vmem>>
    %swap3A_12 = tpu.memref_squeeze %swap3A_11 : memref<1x32xi32, #tpu.memory_space<vmem>> -> memref<32xi32, #tpu.memory_space<vmem>>
    %swap3A_13 = arith.constant 0 : index
    %swap3A_14 = tpu.vector_load %swap3A_12[%swap3A_13] {strides = array<i32>} : memref<32xi32, #tpu.memory_space<vmem>>, vector<16xi32>,
    tpu.vector_store %swap3A_12[%swap3A_13], %get3A_9 {strides = array<i32>} : memref<32xi32, #tpu.memory_space<vmem>>, vector<16xi32>,
    %gather3A = tpu.vector_load_idx %arg10[%get3A_9] : memref<32768xi32, #tpu.memory_space<vmem>>[vector<16xi32>], vector<16xi32>,
    %swap3A_15 = arith.constant 0 : i32
    %swap3A_16 = arith.constant 0 : i32
    %swap3A_17 = tpu.memref_slice %arg12[%swap3A_15, %swap3A_16] : memref<2x32xi32, #tpu.memory_space<vmem>> -> memref<1x32xi32, #tpu.memory_space<vmem>>
    %swap3A_18 = tpu.memref_squeeze %swap3A_17 : memref<1x32xi32, #tpu.memory_space<vmem>> -> memref<32xi32, #tpu.memory_space<vmem>>
    %swap3A_19 = arith.constant 0 : index
    %swap3A_20 = tpu.vector_load %swap3A_18[%swap3A_19] {strides = array<i32>} : memref<32xi32, #tpu.memory_space<vmem>>, vector<16xi32>,
    tpu.vector_store %swap3A_18[%swap3A_19], %gather3A {strides = array<i32>} : memref<32xi32, #tpu.memory_space<vmem>>, vector<16xi32>,
    %add3A_21 = arith.constant 16 : i32
    %add3A_22 = arith.addi %mul3A_2, %add3A_21 : i32
    %get3A_23 = arith.index_cast %add3A_22 : i32 to index
    %get3A_24 = tpu.vector_load %arg9[%get3A_23] {strides = array<i32>} : memref<2048xi32, #tpu.memory_space<vmem>>, vector<16xi32>,
    %swap3A_25 = arith.constant 0 : i32
    %swap3A_26 = arith.constant 0 : i32
    %swap3A_27 = tpu.memref_slice %arg11[%swap3A_25, %swap3A_26] : memref<2x32xi32, #tpu.memory_space<vmem>> -> memref<1x32xi32, #tpu.memory_space<vmem>>
    %swap3A_28 = tpu.memref_squeeze %swap3A_27 : memref<1x32xi32, #tpu.memory_space<vmem>> -> memref<32xi32, #tpu.memory_space<vmem>>
    %swap3A_29 = arith.constant 16 : index
    %swap3A_30 = tpu.vector_load %swap3A_28[%swap3A_29] {strides = array<i32>} : memref<32xi32, #tpu.memory_space<vmem>>, vector<16xi32>,
    tpu.vector_store %swap3A_28[%swap3A_29], %get3A_24 {strides = array<i32>} : memref<32xi32, #tpu.memory_space<vmem>>, vector<16xi32>,
    %gather3A_31 = tpu.vector_load_idx %arg10[%get3A_24] : memref<32768xi32, #tpu.memory_space<vmem>>[vector<16xi32>], vector<16xi32>,
    %swap3A_32 = arith.constant 0 : i32
    %swap3A_33 = arith.constant 0 : i32
    %swap3A_34 = tpu.memref_slice %arg12[%swap3A_32, %swap3A_33] : memref<2x32xi32, #tpu.memory_space<vmem>> -> memref<1x32xi32, #tpu.memory_space<vmem>>
    %swap3A_35 = tpu.memref_squeeze %swap3A_34 : memref<1x32xi32, #tpu.memory_space<vmem>> -> memref<32xi32, #tpu.memory_space<vmem>>
    %swap3A_36 = arith.constant 16 : index
    %swap3A_37 = tpu.vector_load %swap3A_35[%swap3A_36] {strides = array<i32>} : memref<32xi32, #tpu.memory_space<vmem>>, vector<16xi32>,
    tpu.vector_store %swap3A_35[%swap3A_36], %gather3A_31 {strides = array<i32>} : memref<32xi32, #tpu.memory_space<vmem>>, vector<16xi32>,
    %add3A_38 = arith.constant 32 : i32
    %add3A_39 = arith.addi %mul3A_2, %add3A_38 : i32
    %get3A_40 = arith.index_cast %add3A_39 : i32 to index
    %get3A_41 = tpu.vector_load %arg9[%get3A_40] {strides = array<i32>} : memref<2048xi32, #tpu.memory_space<vmem>>, vector<16xi32>,
    %swap3A_42 = arith.constant 1 : i32
    %swap3A_43 = arith.constant 0 : i32
    %swap3A_44 = tpu.memref_slice %arg11[%swap3A_42, %swap3A_43] : memref<2x32xi32, #tpu.memory_space<vmem>> -> memref<1x32xi32, #tpu.memory_space<vmem>>
    %swap3A_45 = tpu.memref_squeeze %swap3A_44 : memref<1x32xi32, #tpu.memory_space<vmem>> -> memref<32xi32, #tpu.memory_space<vmem>>
    %swap3A_46 = arith.constant 0 : index
    %swap3A_47 = tpu.vector_load %swap3A_45[%swap3A_46] {strides = array<i32>} : memref<32xi32, #tpu.memory_space<vmem>>, vector<16xi32>,
    tpu.vector_store %swap3A_45[%swap3A_46], %get3A_41 {strides = array<i32>} : memref<32xi32, #tpu.memory_space<vmem>>, vector<16xi32>,
    %gather3A_48 = tpu.vector_load_idx %arg10[%get3A_41] : memref<32768xi32, #tpu.memory_space<vmem>>[vector<16xi32>], vector<16xi32>,
    %swap3A_49 = arith.constant 1 : i32
    %swap3A_50 = arith.constant 0 : i32
    %swap3A_51 = tpu.memref_slice %arg12[%swap3A_49, %swap3A_50] : memref<2x32xi32, #tpu.memory_space<vmem>> -> memref<1x32xi32, #tpu.memory_space<vmem>>
    %swap3A_52 = tpu.memref_squeeze %swap3A_51 : memref<1x32xi32, #tpu.memory_space<vmem>> -> memref<32xi32, #tpu.memory_space<vmem>>
    %swap3A_53 = arith.constant 0 : index
    %swap3A_54 = tpu.vector_load %swap3A_52[%swap3A_53] {strides = array<i32>} : memref<32xi32, #tpu.memory_space<vmem>>, vector<16xi32>,
    tpu.vector_store %swap3A_52[%swap3A_53], %gather3A_48 {strides = array<i32>} : memref<32xi32, #tpu.memory_space<vmem>>, vector<16xi32>,
    %add3A_55 = arith.constant 48 : i32
    %add3A_56 = arith.addi %mul3A_2, %add3A_55 : i32
    %get3A_57 = arith.index_cast %add3A_56 : i32 to index
    %get3A_58 = tpu.vector_load %arg9[%get3A_57] {strides = array<i32>} : memref<2048xi32, #tpu.memory_space<vmem>>, vector<16xi32>,
    %swap3A_59 = arith.constant 1 : i32
    %swap3A_60 = arith.constant 0 : i32
    %swap3A_61 = tpu.memref_slice %arg11[%swap3A_59, %swap3A_60] : memref<2x32xi32, #tpu.memory_space<vmem>> -> memref<1x32xi32, #tpu.memory_space<vmem>>
    %swap3A_62 = tpu.memref_squeeze %swap3A_61 : memref<1x32xi32, #tpu.memory_space<vmem>> -> memref<32xi32, #tpu.memory_space<vmem>>
    %swap3A_63 = arith.constant 16 : index
    %swap3A_64 = tpu.vector_load %swap3A_62[%swap3A_63] {strides = array<i32>} : memref<32xi32, #tpu.memory_space<vmem>>, vector<16xi32>,
    tpu.vector_store %swap3A_62[%swap3A_63], %get3A_58 {strides = array<i32>} : memref<32xi32, #tpu.memory_space<vmem>>, vector<16xi32>,
    %gather3A_65 = tpu.vector_load_idx %arg10[%get3A_58] : memref<32768xi32, #tpu.memory_space<vmem>>[vector<16xi32>], vector<16xi32>,
    %swap3A_66 = arith.constant 1 : i32
    %swap3A_67 = arith.constant 0 : i32
    %swap3A_68 = tpu.memref_slice %arg12[%swap3A_66, %swap3A_67] : memref<2x32xi32, #tpu.memory_space<vmem>> -> memref<1x32xi32, #tpu.memory_space<vmem>>
    %swap3A_69 = tpu.memref_squeeze %swap3A_68 : memref<1x32xi32, #tpu.memory_space<vmem>> -> memref<32xi32, #tpu.memory_space<vmem>>
    %swap3A_70 = arith.constant 16 : index
    %swap3A_71 = tpu.vector_load %swap3A_69[%swap3A_70] {strides = array<i32>} : memref<32xi32, #tpu.memory_space<vmem>>, vector<16xi32>,
    tpu.vector_store %swap3A_69[%swap3A_70], %gather3A_65 {strides = array<i32>} : memref<32xi32, #tpu.memory_space<vmem>>, vector<16xi32>,
    %dma_start3A = arith.constant 0 : i32
    %dma_start3A_72 = arith.constant 0 : i32
    %dma_start3A_73 = tpu.memref_slice %arg12[%dma_start3A, %dma_start3A_72] : memref<2x32xi32, #tpu.memory_space<vmem>> -> memref<1x32xi32, #tpu.memory_space<vmem>>
    %dma_start3A_74 = tpu.memref_squeeze %dma_start3A_73 : memref<1x32xi32, #tpu.memory_space<vmem>> -> memref<32xi32, #tpu.memory_space<vmem>>
    %dma_start3A_75 = arith.constant 0 : i32
    %dma_start3A_76 = arith.constant 0 : i32
    %dma_start3A_77 = arith.constant 0 : i32
    %dma_start3A_78 = tpu.memref_slice %arg2[%dma_start3A_75, %dma_start3A_76, %dma_start3A_77] : memref<2048x8x128xf32, #tpu.memory_space<hbm>> -> memref<2048x8x128xf32, #tpu.memory_space<hbm>>
    tpu.enqueue_indirect_dma source(%dma_start3A_78 : memref<2048x8x128xf32, #tpu.memory_space<hbm>>) target(%arg13 : memref<32x8x128xf32, #tpu.memory_space<vmem>>) offsets(%dma_start3A_74 : memref<32xi32, #tpu.memory_space<vmem>>) semaphore(%arg15 : memref<!tpu.dma_semaphore, #tpu.memory_space<semaphore_mem>>)
    %dma_start3A_79 = arith.constant 1 : i32
    %dma_start3A_80 = arith.constant 0 : i32
    %dma_start3A_81 = tpu.memref_slice %arg12[%dma_start3A_79, %dma_start3A_80] : memref<2x32xi32, #tpu.memory_space<vmem>> -> memref<1x32xi32, #tpu.memory_space<vmem>>
    %dma_start3A_82 = tpu.memref_squeeze %dma_start3A_81 : memref<1x32xi32, #tpu.memory_space<vmem>> -> memref<32xi32, #tpu.memory_space<vmem>>
    %dma_start3A_83 = arith.constant 0 : i32
    %dma_start3A_84 = arith.constant 0 : i32
    %dma_start3A_85 = arith.constant 0 : i32
    %dma_start3A_86 = tpu.memref_slice %arg2[%dma_start3A_83, %dma_start3A_84, %dma_start3A_85] : memref<2048x8x128xf32, #tpu.memory_space<hbm>> -> memref<2048x8x128xf32, #tpu.memory_space<hbm>>
    tpu.enqueue_indirect_dma source(%dma_start3A_86 : memref<2048x8x128xf32, #tpu.memory_space<hbm>>) target(%arg14 : memref<32x8x128xf32, #tpu.memory_space<vmem>>) offsets(%dma_start3A_82 : memref<32xi32, #tpu.memory_space<vmem>>) semaphore(%arg16 : memref<!tpu.dma_semaphore, #tpu.memory_space<semaphore_mem>>)
    %dma_wait3A = arith.constant 0 : i32
    %dma_wait3A_87 = arith.constant 0 : i32
    %dma_wait3A_88 = tpu.memref_slice %arg12[%dma_wait3A, %dma_wait3A_87] : memref<2x32xi32, #tpu.memory_space<vmem>> -> memref<1x32xi32, #tpu.memory_space<vmem>>
    %dma_wait3A_89 = tpu.memref_squeeze %dma_wait3A_88 : memref<1x32xi32, #tpu.memory_space<vmem>> -> memref<32xi32, #tpu.memory_space<vmem>>
    %dma_wait3A_90 = arith.constant 0 : i32
    %dma_wait3A_91 = arith.constant 0 : i32
    %dma_wait3A_92 = arith.constant 0 : i32
    %dma_wait3A_93 = tpu.memref_slice %arg2[%dma_wait3A_90, %dma_wait3A_91, %dma_wait3A_92] : memref<2048x8x128xf32, #tpu.memory_space<hbm>> -> memref<2048x8x128xf32, #tpu.memory_space<hbm>>
    tpu.wait_indirect_dma semaphore(%arg15 : memref<!tpu.dma_semaphore, #tpu.memory_space<semaphore_mem>>) src(%dma_wait3A_93 : memref<2048x8x128xf32, #tpu.memory_space<hbm>>) dst(%arg13 : memref<32x8x128xf32, #tpu.memory_space<vmem>>)
    %dma_start3A_94 = arith.constant 0 : i32
    %dma_start3A_95 = arith.constant 0 : i32
    %dma_start3A_96 = tpu.memref_slice %arg11[%dma_start3A_94, %dma_start3A_95] : memref<2x32xi32, #tpu.memory_space<vmem>> -> memref<1x32xi32, #tpu.memory_space<vmem>>
    %dma_start3A_97 = tpu.memref_squeeze %dma_start3A_96 : memref<1x32xi32, #tpu.memory_space<vmem>> -> memref<32xi32, #tpu.memory_space<vmem>>
    %dma_start3A_98 = arith.constant 0 : i32
    %dma_start3A_99 = arith.constant 0 : i32
    %dma_start3A_100 = arith.constant 0 : i32
    %dma_start3A_101 = tpu.memref_slice %arg7[%dma_start3A_98, %dma_start3A_99, %dma_start3A_100] : memref<32768x8x128xf32, #tpu.memory_space<hbm>> -> memref<32768x8x128xf32, #tpu.memory_space<hbm>>
    tpu.enqueue_indirect_dma source(%arg13 : memref<32x8x128xf32, #tpu.memory_space<vmem>>) target(%dma_start3A_101 : memref<32768x8x128xf32, #tpu.memory_space<hbm>>) offsets(%dma_start3A_97 : memref<32xi32, #tpu.memory_space<vmem>>) semaphore(%arg17 : memref<!tpu.dma_semaphore, #tpu.memory_space<semaphore_mem>>)
    %dma_wait3A_102 = arith.constant 0 : i32
    %dma_wait3A_103 = arith.constant 0 : i32
    %dma_wait3A_104 = tpu.memref_slice %arg11[%dma_wait3A_102, %dma_wait3A_103] : memref<2x32xi32, #tpu.memory_space<vmem>> -> memref<1x32xi32, #tpu.memory_space<vmem>>
    %dma_wait3A_105 = tpu.memref_squeeze %dma_wait3A_104 : memref<1x32xi32, #tpu.memory_space<vmem>> -> memref<32xi32, #tpu.memory_space<vmem>>
    %dma_wait3A_106 = arith.constant 0 : i32
    %dma_wait3A_107 = arith.constant 0 : i32
    %dma_wait3A_108 = arith.constant 0 : i32
    %dma_wait3A_109 = tpu.memref_slice %arg7[%dma_wait3A_106, %dma_wait3A_107, %dma_wait3A_108] : memref<32768x8x128xf32, #tpu.memory_space<hbm>> -> memref<32768x8x128xf32, #tpu.memory_space<hbm>>
    tpu.wait_indirect_dma semaphore(%arg17 : memref<!tpu.dma_semaphore, #tpu.memory_space<semaphore_mem>>) src(%arg13 : memref<32x8x128xf32, #tpu.memory_space<vmem>>) dst(%dma_wait3A_109 : memref<32768x8x128xf32, #tpu.memory_space<hbm>>)
    %dma_start3A_110 = arith.constant 0 : i32
    %dma_start3A_111 = arith.constant 0 : i32
    %dma_start3A_112 = tpu.memref_slice %arg12[%dma_start3A_110, %dma_start3A_111] : memref<2x32xi32, #tpu.memory_space<vmem>> -> memref<1x32xi32, #tpu.memory_space<vmem>>
    %dma_start3A_113 = tpu.memref_squeeze %dma_start3A_112 : memref<1x32xi32, #tpu.memory_space<vmem>> -> memref<32xi32, #tpu.memory_space<vmem>>
    %dma_start3A_114 = arith.constant 0 : i32
    %dma_start3A_115 = arith.constant 0 : i32
    %dma_start3A_116 = arith.constant 0 : i32
    %dma_start3A_117 = tpu.memref_slice %arg3[%dma_start3A_114, %dma_start3A_115, %dma_start3A_116] : memref<2048x8x128xf32, #tpu.memory_space<hbm>> -> memref<2048x8x128xf32, #tpu.memory_space<hbm>>
    tpu.enqueue_indirect_dma source(%dma_start3A_117 : memref<2048x8x128xf32, #tpu.memory_space<hbm>>) target(%arg13 : memref<32x8x128xf32, #tpu.memory_space<vmem>>) offsets(%dma_start3A_113 : memref<32xi32, #tpu.memory_space<vmem>>) semaphore(%arg15 : memref<!tpu.dma_semaphore, #tpu.memory_space<semaphore_mem>>)
    %dma_wait3A_118 = arith.constant 1 : i32
    %dma_wait3A_119 = arith.constant 0 : i32
    %dma_wait3A_120 = tpu.memref_slice %arg12[%dma_wait3A_118, %dma_wait3A_119] : memref<2x32xi32, #tpu.memory_space<vmem>> -> memref<1x32xi32, #tpu.memory_space<vmem>>
    %dma_wait3A_121 = tpu.memref_squeeze %dma_wait3A_120 : memref<1x32xi32, #tpu.memory_space<vmem>> -> memref<32xi32, #tpu.memory_space<vmem>>
    %dma_wait3A_122 = arith.constant 0 : i32
    %dma_wait3A_123 = arith.constant 0 : i32
    %dma_wait3A_124 = arith.constant 0 : i32
    %dma_wait3A_125 = tpu.memref_slice %arg2[%dma_wait3A_122, %dma_wait3A_123, %dma_wait3A_124] : memref<2048x8x128xf32, #tpu.memory_space<hbm>> -> memref<2048x8x128xf32, #tpu.memory_space<hbm>>
    tpu.wait_indirect_dma semaphore(%arg16 : memref<!tpu.dma_semaphore, #tpu.memory_space<semaphore_mem>>) src(%dma_wait3A_125 : memref<2048x8x128xf32, #tpu.memory_space<hbm>>) dst(%arg14 : memref<32x8x128xf32, #tpu.memory_space<vmem>>)
    %dma_start3A_126 = arith.constant 1 : i32
    %dma_start3A_127 = arith.constant 0 : i32
    %dma_start3A_128 = tpu.memref_slice %arg11[%dma_start3A_126, %dma_start3A_127] : memref<2x32xi32, #tpu.memory_space<vmem>> -> memref<1x32xi32, #tpu.memory_space<vmem>>
    %dma_start3A_129 = tpu.memref_squeeze %dma_start3A_128 : memref<1x32xi32, #tpu.memory_space<vmem>> -> memref<32xi32, #tpu.memory_space<vmem>>
    %dma_start3A_130 = arith.constant 0 : i32
    %dma_start3A_131 = arith.constant 0 : i32
    %dma_start3A_132 = arith.constant 0 : i32
    %dma_start3A_133 = tpu.memref_slice %arg7[%dma_start3A_130, %dma_start3A_131, %dma_start3A_132] : memref<32768x8x128xf32, #tpu.memory_space<hbm>> -> memref<32768x8x128xf32, #tpu.memory_space<hbm>>
    tpu.enqueue_indirect_dma source(%arg14 : memref<32x8x128xf32, #tpu.memory_space<vmem>>) target(%dma_start3A_133 : memref<32768x8x128xf32, #tpu.memory_space<hbm>>) offsets(%dma_start3A_129 : memref<32xi32, #tpu.memory_space<vmem>>) semaphore(%arg18 : memref<!tpu.dma_semaphore, #tpu.memory_space<semaphore_mem>>)
    %dma_wait3A_134 = arith.constant 1 : i32
    %dma_wait3A_135 = arith.constant 0 : i32
    %dma_wait3A_136 = tpu.memref_slice %arg11[%dma_wait3A_134, %dma_wait3A_135] : memref<2x32xi32, #tpu.memory_space<vmem>> -> memref<1x32xi32, #tpu.memory_space<vmem>>
    %dma_wait3A_137 = tpu.memref_squeeze %dma_wait3A_136 : memref<1x32xi32, #tpu.memory_space<vmem>> -> memref<32xi32, #tpu.memory_space<vmem>>
    %dma_wait3A_138 = arith.constant 0 : i32
    %dma_wait3A_139 = arith.constant 0 : i32
    %dma_wait3A_140 = arith.constant 0 : i32
    %dma_wait3A_141 = tpu.memref_slice %arg7[%dma_wait3A_138, %dma_wait3A_139, %dma_wait3A_140] : memref<32768x8x128xf32, #tpu.memory_space<hbm>> -> memref<32768x8x128xf32, #tpu.memory_space<hbm>>
    tpu.wait_indirect_dma semaphore(%arg18 : memref<!tpu.dma_semaphore, #tpu.memory_space<semaphore_mem>>) src(%arg14 : memref<32x8x128xf32, #tpu.memory_space<vmem>>) dst(%dma_wait3A_141 : memref<32768x8x128xf32, #tpu.memory_space<hbm>>)
    %dma_start3A_142 = arith.constant 1 : i32
    %dma_start3A_143 = arith.constant 0 : i32
    %dma_start3A_144 = tpu.memref_slice %arg12[%dma_start3A_142, %dma_start3A_143] : memref<2x32xi32, #tpu.memory_space<vmem>> -> memref<1x32xi32, #tpu.memory_space<vmem>>
    %dma_start3A_145 = tpu.memref_squeeze %dma_start3A_144 : memref<1x32xi32, #tpu.memory_space<vmem>> -> memref<32xi32, #tpu.memory_space<vmem>>
    %dma_start3A_146 = arith.constant 0 : i32
    %dma_start3A_147 = arith.constant 0 : i32
    %dma_start3A_148 = arith.constant 0 : i32
    %dma_start3A_149 = tpu.memref_slice %arg3[%dma_start3A_146, %dma_start3A_147, %dma_start3A_148] : memref<2048x8x128xf32, #tpu.memory_space<hbm>> -> memref<2048x8x128xf32, #tpu.memory_space<hbm>>
    tpu.enqueue_indirect_dma source(%dma_start3A_149 : memref<2048x8x128xf32, #tpu.memory_space<hbm>>) target(%arg14 : memref<32x8x128xf32, #tpu.memory_space<vmem>>) offsets(%dma_start3A_145 : memref<32xi32, #tpu.memory_space<vmem>>) semaphore(%arg16 : memref<!tpu.dma_semaphore, #tpu.memory_space<semaphore_mem>>)
    %dma_wait3A_150 = arith.constant 0 : i32
    %dma_wait3A_151 = arith.constant 0 : i32
    %dma_wait3A_152 = tpu.memref_slice %arg12[%dma_wait3A_150, %dma_wait3A_151] : memref<2x32xi32, #tpu.memory_space<vmem>> -> memref<1x32xi32, #tpu.memory_space<vmem>>
    %dma_wait3A_153 = tpu.memref_squeeze %dma_wait3A_152 : memref<1x32xi32, #tpu.memory_space<vmem>> -> memref<32xi32, #tpu.memory_space<vmem>>
    %dma_wait3A_154 = arith.constant 0 : i32
    %dma_wait3A_155 = arith.constant 0 : i32
    %dma_wait3A_156 = arith.constant 0 : i32
    %dma_wait3A_157 = tpu.memref_slice %arg3[%dma_wait3A_154, %dma_wait3A_155, %dma_wait3A_156] : memref<2048x8x128xf32, #tpu.memory_space<hbm>> -> memref<2048x8x128xf32, #tpu.memory_space<hbm>>
    tpu.wait_indirect_dma semaphore(%arg15 : memref<!tpu.dma_semaphore, #tpu.memory_space<semaphore_mem>>) src(%dma_wait3A_157 : memref<2048x8x128xf32, #tpu.memory_space<hbm>>) dst(%arg13 : memref<32x8x128xf32, #tpu.memory_space<vmem>>)
    %dma_start3A_158 = arith.constant 0 : i32
    %dma_start3A_159 = arith.constant 0 : i32
    %dma_start3A_160 = tpu.memref_slice %arg11[%dma_start3A_158, %dma_start3A_159] : memref<2x32xi32, #tpu.memory_space<vmem>> -> memref<1x32xi32, #tpu.memory_space<vmem>>
    %dma_start3A_161 = tpu.memref_squeeze %dma_start3A_160 : memref<1x32xi32, #tpu.memory_space<vmem>> -> memref<32xi32, #tpu.memory_space<vmem>>
    %dma_start3A_162 = arith.constant 0 : i32
    %dma_start3A_163 = arith.constant 0 : i32
    %dma_start3A_164 = arith.constant 0 : i32
    %dma_start3A_165 = tpu.memref_slice %arg8[%dma_start3A_162, %dma_start3A_163, %dma_start3A_164] : memref<32768x8x128xf32, #tpu.memory_space<hbm>> -> memref<32768x8x128xf32, #tpu.memory_space<hbm>>
    tpu.enqueue_indirect_dma source(%arg13 : memref<32x8x128xf32, #tpu.memory_space<vmem>>) target(%dma_start3A_165 : memref<32768x8x128xf32, #tpu.memory_space<hbm>>) offsets(%dma_start3A_161 : memref<32xi32, #tpu.memory_space<vmem>>) semaphore(%arg17 : memref<!tpu.dma_semaphore, #tpu.memory_space<semaphore_mem>>)
    %dma_wait3A_166 = arith.constant 1 : i32
    %dma_wait3A_167 = arith.constant 0 : i32
    %dma_wait3A_168 = tpu.memref_slice %arg12[%dma_wait3A_166, %dma_wait3A_167] : memref<2x32xi32, #tpu.memory_space<vmem>> -> memref<1x32xi32, #tpu.memory_space<vmem>>
    %dma_wait3A_169 = tpu.memref_squeeze %dma_wait3A_168 : memref<1x32xi32, #tpu.memory_space<vmem>> -> memref<32xi32, #tpu.memory_space<vmem>>
    %dma_wait3A_170 = arith.constant 0 : i32
    %dma_wait3A_171 = arith.constant 0 : i32
    %dma_wait3A_172 = arith.constant 0 : i32
    %dma_wait3A_173 = tpu.memref_slice %arg3[%dma_wait3A_170, %dma_wait3A_171, %dma_wait3A_172] : memref<2048x8x128xf32, #tpu.memory_space<hbm>> -> memref<2048x8x128xf32, #tpu.memory_space<hbm>>
    tpu.wait_indirect_dma semaphore(%arg16 : memref<!tpu.dma_semaphore, #tpu.memory_space<semaphore_mem>>) src(%dma_wait3A_173 : memref<2048x8x128xf32, #tpu.memory_space<hbm>>) dst(%arg14 : memref<32x8x128xf32, #tpu.memory_space<vmem>>)
    %dma_start3A_174 = arith.constant 1 : i32
    %dma_start3A_175 = arith.constant 0 : i32
    %dma_start3A_176 = tpu.memref_slice %arg11[%dma_start3A_174, %dma_start3A_175] : memref<2x32xi32, #tpu.memory_space<vmem>> -> memref<1x32xi32, #tpu.memory_space<vmem>>
    %dma_start3A_177 = tpu.memref_squeeze %dma_start3A_176 : memref<1x32xi32, #tpu.memory_space<vmem>> -> memref<32xi32, #tpu.memory_space<vmem>>
    %dma_start3A_178 = arith.constant 0 : i32
    %dma_start3A_179 = arith.constant 0 : i32
    %dma_start3A_180 = arith.constant 0 : i32
    %dma_start3A_181 = tpu.memref_slice %arg8[%dma_start3A_178, %dma_start3A_179, %dma_start3A_180] : memref<32768x8x128xf32, #tpu.memory_space<hbm>> -> memref<32768x8x128xf32, #tpu.memory_space<hbm>>
    tpu.enqueue_indirect_dma source(%arg14 : memref<32x8x128xf32, #tpu.memory_space<vmem>>) target(%dma_start3A_181 : memref<32768x8x128xf32, #tpu.memory_space<hbm>>) offsets(%dma_start3A_177 : memref<32xi32, #tpu.memory_space<vmem>>) semaphore(%arg18 : memref<!tpu.dma_semaphore, #tpu.memory_space<semaphore_mem>>)
    %dma_wait3A_182 = arith.constant 0 : i32
    %dma_wait3A_183 = arith.constant 0 : i32
    %dma_wait3A_184 = tpu.memref_slice %arg11[%dma_wait3A_182, %dma_wait3A_183] : memref<2x32xi32, #tpu.memory_space<vmem>> -> memref<1x32xi32, #tpu.memory_space<vmem>>
    %dma_wait3A_185 = tpu.memref_squeeze %dma_wait3A_184 : memref<1x32xi32, #tpu.memory_space<vmem>> -> memref<32xi32, #tpu.memory_space<vmem>>
    %dma_wait3A_186 = arith.constant 0 : i32
    %dma_wait3A_187 = arith.constant 0 : i32
    %dma_wait3A_188 = arith.constant 0 : i32
    %dma_wait3A_189 = tpu.memref_slice %arg8[%dma_wait3A_186, %dma_wait3A_187, %dma_wait3A_188] : memref<32768x8x128xf32, #tpu.memory_space<hbm>> -> memref<32768x8x128xf32, #tpu.memory_space<hbm>>
    tpu.wait_indirect_dma semaphore(%arg17 : memref<!tpu.dma_semaphore, #tpu.memory_space<semaphore_mem>>) src(%arg13 : memref<32x8x128xf32, #tpu.memory_space<vmem>>) dst(%dma_wait3A_189 : memref<32768x8x128xf32, #tpu.memory_space<hbm>>)
    %dma_wait3A_190 = arith.constant 1 : i32
    %dma_wait3A_191 = arith.constant 0 : i32
    %dma_wait3A_192 = tpu.memref_slice %arg11[%dma_wait3A_190, %dma_wait3A_191] : memref<2x32xi32, #tpu.memory_space<vmem>> -> memref<1x32xi32, #tpu.memory_space<vmem>>
    %dma_wait3A_193 = tpu.memref_squeeze %dma_wait3A_192 : memref<1x32xi32, #tpu.memory_space<vmem>> -> memref<32xi32, #tpu.memory_space<vmem>>
    %dma_wait3A_194 = arith.constant 0 : i32
    %dma_wait3A_195 = arith.constant 0 : i32
    %dma_wait3A_196 = arith.constant 0 : i32
    %dma_wait3A_197 = tpu.memref_slice %arg8[%dma_wait3A_194, %dma_wait3A_195, %dma_wait3A_196] : memref<32768x8x128xf32, #tpu.memory_space<hbm>> -> memref<32768x8x128xf32, #tpu.memory_space<hbm>>
    tpu.wait_indirect_dma semaphore(%arg18 : memref<!tpu.dma_semaphore, #tpu.memory_space<semaphore_mem>>) src(%arg14 : memref<32x8x128xf32, #tpu.memory_space<vmem>>) dst(%dma_wait3A_197 : memref<32768x8x128xf32, #tpu.memory_space<hbm>>)
    return
  }
}

</mosaic_0001>

<sc_bundles>
// kernel: kernel.3.cloned.1.call-start
scs
__scs_entry_jumppad:
0x0: {  	(pc) =	sbr.rel $0x88, $3  }
0x1: {  	(tag) =	ssettag $0x0;
	lr =	simm.s32 $0x1  }
0x2: {  	[smem:$0x3F9C] =	sst lr;
	_ =	strace $0xD0000000  }
0x3: {  	_ = 	snop  }
0x4: {  	_ = 	snop  }
0x5: {  	_ = 	snop  }
0x6: {  	_ = 	snop  }
0x7: {  	_ = 	snop  }
__scs_overlays_trampoline_lowered:
0x8: {  	[smem:$0x3FAB] =	sst s0  }
0x9: {  	[smem:$0x3FAC] =	sst s1  }
0xa: {  	[smem:$0x3FAD] =	sst s2  }
0xb: {  	[smem:$0x3FAE] =	sst s3  }
0xc: {  	[smem:$0x3FAF] =	sst s4  }
0xd: {  	[smem:$0x3FB0] =	sst s5  }
0xe: {  	[smem:$0x3FB1] =	sst s6  }
0xf: {  	[smem:$0x3FB2] =	sst s7  }
0x10: {  	[smem:$0x3FB3] =	sst s8  }
0x11: {  	[smem:$0x3FB4] =	sst s9;
	s0 =	simm.s32 @!p0 $0x0  }
0x12: {  	s1 =	sld [smem:$0x3F9A];
	s0 =	simm.s32 @p0 $0x1  }
0x13: {  	[smem:$0x3FB5] =	sst s0;
	s0 =	simm.s32 @!p1 $0x0  }
0x14: {  	s2 =	sld [smem:$0x3F99];
	s0 =	simm.s32 @p1 $0x1  }
0x15: {  	[smem:$0x3FB6] =	sst s0;
	s0 =	simm.s32 @!p2 $0x0  }
0x16: {  	s3 =	sld [smem:$0x3FDB];
	s0 =	simm.s32 @p2 $0x1  }
0x17: {  	s4 =	simm.s32 $0x1BF5;
	[smem:$0x3FB8] =	sst s0  }
0x18: {  	s0 =	sld [smem:$0x3F9B];
	_ =	swait.ge [sflag:s4], $0x0  }
0x19: {  	s7 =	sld [smem:$0x3F9C]  }
0x1a: {  	s8 =	sadd.s32 $0xFFFFE003, lr  }
0x1b: {  	s9 =	sadd.s32 $0xFFFFFEF7, lr;
	s5 =	simm.s32 $0xFFFFFFFF;
	p2 =	slt.u32 s8, $0xFFFFF086  }
0x1c: {  	p1 =	slt.u32 s9, $0xF7A;
	s5 =	simm.s32 @!p2 $0x0  }
0x1d: {  	s5 =	simm.s32 @p1 $0x1;
	p0 =	seq.s32 s7, s2  }
0x1e: {  	s7 =	smul.u32 @!p0 $0xF7A, s2;
	p2 =	seq.s32 @!p0 s5, $0x0  }
0x1f: {  	s9 =	smul.u32 $0xF7A, s1;
	s8 =	simm.s32 @!p0 $0x1BF5;
	p2 =	por !p2, p0  }
0x20: {  	[sflag:s8] =	ssyncset.s32 @!p0 $0xFFFFF086;
	s6 =	sadd.s32 @!p0 s3, s7;
	s7 =	simm.s32 @!p0 $0x108  }
0x21: {  	s3 =	sadd.s32 s3, s9;
	s6 =	sadd.s32 @!p0 $0x88, s6;
	s7 =	simm.s32 @p2 $0x1082  }
0x22: {  	[simem:s7], [sflag:s8] =	dma.local @!p0 [hbm:s6], $0xF7A  }
0x23: {  	s9 =	sor.u32 $0xD0000000, s2;
	s6 =	simm.s32 $0x108;
	_ =	swait.ge @!p0 [sflag:s8], $0x0  }
0x24: {  	s3 =	sadd.s32 $0x88, s3;
	s6 =	simm.s32 @!p1 $0x1082;
	[sflag:s4] =	ssyncset.s32 $0xFFFFF086  }
0x25: {  	[simem:s6], [sflag:s4] =	dma.local [hbm:s3], $0xF7A  }
0x26: {  	[smem:$0x3F9C] =	sst s1;
	(tag) =	ssettag s2;
	_ =	strace s9  }
0x27: {  	s1 =	sld [smem:$0x3FAC]  }
0x28: {  	s2 =	sld [smem:$0x3FAD]  }
0x29: {  	s4 =	sld [smem:$0x3FAF]  }
0x2a: {  	p0 =	seq.s32 s5, $0x0;
	s5 =	sld [smem:$0x3FB0]  }
0x2b: {  	s6 =	sld [smem:$0x3FB1]  }
0x2c: {  	s7 =	sld [smem:$0x3FB2]  }
0x2d: {  	s3 =	simm.s32 $0x108;
	s8 =	sld [smem:$0x3FB3]  }
0x2e: {  	s3 =	simm.s32 @!p0 $0x1082;
	s9 =	sld [smem:$0x3FB4]  }
0x2f: {  	lr =	sadd.s32 s0, s3;
	s0 =	sld [smem:$0x3FAB]  }
0x30: {  	s3 =	sld [smem:$0x3FAE]  }
0x31: {  	[smem:$0x3FB7] =	sst s10  }
0x32: {  	s10 =	sld [smem:$0x3FB5];
	_ =	sdelay $0x3  }
0x33: {  	p0 =	seq.s32 s10, $0x1;
	s10 =	sld [smem:$0x3FB7];
	_ =	sdelay $0x3  }
0x34: {  	[smem:$0x3FB7] =	sst s10  }
0x35: {  	s10 =	sld [smem:$0x3FB6];
	_ =	sdelay $0x3  }
0x36: {  	p1 =	seq.s32 s10, $0x1;
	s10 =	sld [smem:$0x3FB7];
	_ =	sdelay $0x3  }
0x37: {  	[smem:$0x3FB7] =	sst s10  }
0x38: {  	s10 =	sld [smem:$0x3FB8]  }
0x39: {  	_ = 	snop;
	(pc) =	sbr.ind lr, $3  }
0x3a: {  	_ = 	snop  }
0x3b: {  	_ = 	snop  }
0x3c: {  	p2 =	seq.s32 s10, $0x1;
	s10 =	sld [smem:$0x3FB7]  }
0x3d: {  	_ =	shalt  }
0x3e: {  	_ =	shalt  }
0x3f: {  	_ =	shalt  }
0x40: {  	_ =	shalt  }
0x41: {  	_ =	shalt  }
0x42: {  	_ =	shalt  }
0x43: {  	_ =	shalt  }
0x44: {  	_ =	shalt  }
0x45: {  	_ =	shalt  }
0x46: {  	_ =	shalt  }
0x47: {  	_ =	shalt  }
0x48: {  	_ =	shalt  }
0x49: {  	_ =	shalt  }
0x4a: {  	_ =	shalt  }
0x4b: {  	_ =	shalt  }
0x4c: {  	_ =	shalt  }
0x4d: {  	_ =	shalt  }
0x4e: {  	_ =	shalt  }
0x4f: {  	_ =	shalt  }
0x50: {  	_ =	shalt  }
0x51: {  	_ =	shalt  }
0x52: {  	_ =	shalt  }
0x53: {  	_ =	shalt  }
0x54: {  	_ =	shalt  }
0x55: {  	_ =	shalt  }
0x56: {  	_ =	shalt  }
0x57: {  	_ =	shalt  }
0x58: {  	_ =	shalt  }
0x59: {  	_ =	shalt  }
0x5a: {  	_ =	shalt  }
0x5b: {  	_ =	shalt  }
0x5c: {  	_ =	shalt  }
0x5d: {  	_ =	shalt  }
0x5e: {  	_ =	shalt  }
0x5f: {  	_ =	shalt  }
0x60: {  	_ =	shalt  }
0x61: {  	_ =	shalt  }
0x62: {  	_ =	shalt  }
0x63: {  	_ =	shalt  }
0x64: {  	_ =	shalt  }
0x65: {  	_ =	shalt  }
0x66: {  	_ =	shalt  }
0x67: {  	_ =	shalt  }
0x68: {  	_ =	shalt  }
0x69: {  	_ =	shalt  }
0x6a: {  	_ =	shalt  }
0x6b: {  	_ =	shalt  }
0x6c: {  	_ =	shalt  }
0x6d: {  	_ =	shalt  }
0x6e: {  	_ =	shalt  }
0x6f: {  	_ =	shalt  }
0x70: {  	_ =	shalt  }
0x71: {  	_ =	shalt  }
0x72: {  	_ =	shalt  }
0x73: {  	_ =	shalt  }
0x74: {  	_ =	shalt  }
0x75: {  	_ =	shalt  }
0x76: {  	_ =	shalt  }
0x77: {  	_ =	shalt  }
0x78: {  	_ =	shalt  }
0x79: {  	_ =	shalt  }
0x7a: {  	_ =	shalt  }
0x7b: {  	_ =	shalt  }
0x7c: {  	_ =	shalt  }
0x7d: {  	_ =	shalt  }
0x7e: {  	_ =	shalt  }
0x7f: {  	_ =	shalt  }
0x80: {  	_ =	shalt  }
0x81: {  	_ =	shalt  }
0x82: {  	_ =	shalt  }
0x83: {  	_ =	shalt  }
0x84: {  	_ =	shalt  }
0x85: {  	_ =	shalt  }
0x86: {  	_ =	shalt  }
0x87: {  	_ =	shalt  }
.Lfunc_end0:
.L_simem_size_0:
called_computation_lowered:
.L_overlay_start_0:
0x88: {  	s2 =	sld [smem:$0x3FD9]  }
0x89: {  	s3 =	sld [smem:$0x3FFE];
	_ =	sdelay $0x1  }
0x8a: {  	s1 =	srdreg.scid  }
0x8b: {  	s0 =	sand.u32 $0x1, s1  }
0x8c: {  	s15 =	sshll.u32 s0, $0xA;
	s2 =	sadd.s32 s3, s2  }
0x8d: {  	s2 =	sadd.s32 s2, s15  }
0x8e: {  	[smem:$0x3FC3] =	sst s2  }
0x8f: {  	_ = 	snop  }
0x90: {  	s2 =	sld [smem:$0x3FD0]  }
0x91: {  	s16 =	sld [smem:$0x3FC9]  }
0x92: {  	s4 =	sld [smem:$0x3FC8]  }
0x93: {  	s6 =	simm.s32 $0xA;
	s7 =	simm.s32 $0x10;
	s5 =	sld [smem:$0x3FC5]  }
0x94: {  	[smem:s7], [sflag:s6] =	dma.local [hbm:s2], $0x1  }
0x95: {  	_ =	swait.eq [sflag:s6], $0x1  }
0x96: {  	[sflag:s6] =	ssyncset.done $0x0  }
0x97: {  	s17 =	sld [smem:$0x10];
	[sflag:s6] =	ssyncadd.s32 $0xFFFFFFFF  }
0x98: {  	s18 =	sld [smem:$0x11];
	(tm) =	ssettm $0x1  }
0x99: {  	s19 =	sld [smem:$0x3FFB];
	_ =	sdelay $0x3  }
0x9a: {  	_ =	strace s19  }
0x9b: {  	s7 =	sld [smem:$0x3FFC];
	_ =	sdelay $0x3  }
0x9c: {  	_ =	strace s7  }
0x9d: {  	s7 =	sld [smem:$0x3FFD];
	_ =	sdelay $0x3  }
0x9e: {  	_ =	strace s7  }
0x9f: {  	_ =	strace $0x8FFFFFFF  }
0xa0: {  	s20 =	sld [smem:$0x3FDB];
	_ =	sdelay $0x1  }
0xa1: {  	s8 =	simm.s32 $_scs_section_size  }
0xa2: {  	s9 =	simm.s32 $_size__tile_overlayer_lowered;
	s10 =	simm.s32 $_tile_overlayer_lowered  }
0xa3: {  	s23 =	simm.s32 $0x1BFF;
	s22 =	sshll.u32 s10, $0x1;
	s7 =	sadd.s32 s8, s20  }
0xa4: {  	s11 =	simm.s32 $0x0;
	s21 =	sshll.u32 s9, $0x1;
	s9 =	sadd.s32 s22, s7  }
0xa5: {  	[timem:s11], [sflag:s23] =	dma.local [hbm:s9], s21  }
0xa6: {  	_ =	swait.ge [sflag:s23], s21  }
0xa7: {  	s8 =	ssub.s32 $0x0, s21;
	[sflag:s23] =	ssyncset.done $0x0  }
0xa8: {  	[sflag:s23] =	ssyncadd.s32 s8;
	_ =	sdelay $0x1  }
0xa9: {  	s24 =	simm.s32 $0x1B8B  }
0xaa: {  	_ =	swait.ge [sflag:s24], $0x1  }
0xab: {  	[sflag:s24] =	ssyncset.done $0x0  }
0xac: {  	s25 =	simm.s32 $0x1B8E;
	[sflag:s24] =	ssyncadd.s32 $0xFFFFFFFF  }
0xad: {  	s26 =	simm.s32 $execute0_lowered;
	[smem:$0x3FD2] =	sst s25  }
0xae: {  	s8 =	sshll.u32 s26, $0x1;
	_ =	strace $0x80000046;
	[dreg:$0x1] =	wrdreg $0xFFFFFFFF  }
0xaf: {  	s28 =	simm.s32 $_size_execute0_lowered;
	s7 =	sadd.s32 s7, s8;
	[dreg:$0x0] =	wrdreg $0x0  }
0xb0: {  	s8 =	sshll.u32 s28, $0x1;
	[dreg:$0x2] =	wrdreg s7  }
0xb1: {  	[dreg:$0x3] =	wrdreg s8  }
0xb2: {  	[dreg:$0x4] =	wrdreg $0xC0  }
0xb3: {  	_ =	task [dreg:s11], $0x5FFFF  }
0xb4: {  	[dreg:$0x1] =	wrdreg $0xFFFFFFFF  }
0xb5: {  	[dreg:$0x0] =	wrdreg $0x60  }
0xb6: {  	[dreg:$0x2] =	wrdreg s16  }
0xb7: {  	[dreg:$0x3] =	wrdreg s4  }
0xb8: {  	[dreg:$0x4] =	wrdreg s5  }
0xb9: {  	[dreg:$0x5] =	wrdreg s17  }
0xba: {  	[dreg:$0x6] =	wrdreg s18  }
0xbb: {  	[dreg:$0x7] =	wrdreg $0x9  }
0xbc: {  	_ =	task.clear_ibuf [dreg:s11], $0x8FFFF;
	_ =	strace $0x90000046  }
0xbd: {  	s29 =	simm.s32 $0x9;
	_ =	strace $0x80000048  }
0xbe: {  	_ =	swait.ge [sflag:s29], $0x1  }
0xbf: {  	[sflag:s29] =	ssyncadd.s32 $0xFFFFFFFF  }
0xc0: {  	_ =	strace $0x90000048  }
0xc1: {  	_ =	sfence  }
0xc2: {  	s30 =	sld [smem:$0x0];
	_ =	sdelay $0x2  }
0xc3: {  	s31 =	sshll.u32 s1, $0xD;
	s1 =	sshrl.u32 s1, $0x2  }
0xc4: {  	s3 =	sand.u32 $0x4000, s31;
	s1 =	sadd.s32 s1, s30  }
0xc5: {  	s0 =	sor.u32 s3, s0;
	s1 =	sshll.u32 s1, $0x11  }
0xc6: {  	s0 =	sor.u32 s1, s0  }
0xc7: {  	s0 =	sadd.s32 $0x8F2B, s0  }
0xc8: {  	[sflag:s0] =	ssyncadd.remote.s32 $0x1  }
0xc9: {  	_ =	sfence.sel $0xFFFF  }
0xca: {  	[dreg:$0x0] =	wrdreg $0xFFFFFFFF;
	(pc) =	sbr.abs _section_cstart, $3  }
0xcb: {  	[dreg:$0x1] =	wrdreg $0xFFFFFFFF  }
0xcc: {  	_ =	task.clear_ibuf [dreg:s11], $0x2FFFF;
	_ =	strace $0x9FFFFFFF  }
0xcd: {  	(tm) =	ssettm $0x7FFFFFFF  }
tec
execute0_lowered:
.L_overlay_start_1:
0x0: {  	(tag) =	ssettag $0x1  }
0x1: {  	s0 =	rddreg [dreg:$0x0]  }
0x2: {  	s1 =	rddreg [dreg:$0x1]  }
0x3: {  	s3 =	rddreg [dreg:$0x2]  }
0x4: {  	s2 =	srdreg.scid;
	s4 =	rddreg [dreg:$0x3]  }
0x5: {  	s6 =	rddreg [dreg:$0x4];
	s5 =	stileid.u32;
	s10 =	simm.s32 $0x5  }
0x6: {  	s11 =	simm.s32 $0x800;
	s12 =	simm.s32 $0x20;
	s13 =	simm.s32 $0x8900  }
0x7: {  	s14 =	simm.s32 $0x8A00;
	s15 =	simm.s32 $0x8980;
	s16 =	simm.s32 $0x10A00  }
0x8: {  	v0 =	vimm.s32 $0xFFEDCBA9;
	v1 =	vimm.s32 $0x87654321;
	s17 =	simm.s32 $0x1;
	s18 =	simm.s32 $0x8800;
	s19 =	simm.s32 $0x3  }
0x9: {  	s20 =	simm.s32 $0x2;
	s21 =	simm.s32 $0x8880;
	s7 =	sand.u32 $0x1, s2;
	v0 =	vunpack.c.l.s4.s8 v0;
	v1 =	vunpack.c.l.s4.s8 v1  }
0xa: {  	s22 =	simm.s32 $0x4;
	s23 =	simm.s32 $0x0;
	s8 =	ssub.s32 $0x2, s7  }
0xb: {  	s2 =	rddreg [dreg:$0x5];
	s31 =	sshll.u32 s5, $0x7;
	s9 =	sshrl.u32 s8, $0x1;
	v2 =	vunpack.c.0.s8.s32 v0;
	v1 =	vunpack.c.0.s8.s32 v1  }
0xc: {  	_ =	strace $0x80000047;
	s7 =	sshll.u32 s7, $0x6;
	s8 =	ssub.s32 s8, s9  }
0xd: {  	vm0 =	vcmask $0x3F3C;
	s7 =	sor.u32 s7, s31;
	v0 =	vlaneseq.u32;
	s9 =	simm.s32 $0x0;
	s8 =	smax.u32 s8, $0x1;
	v1 =	vcombine.low v1, v2  }
.LBB2_1:
0xe: {  	[tilespmem:s9], [sflag:$0x5] =	stream.linear.gather [hbm4b:s3+s9], $0x800, $0x38;
	[tilespmem:$0x18A00] =	vst v63  }
0xf: {  	_ =	swait.ge [sflag:s10], $0x800  }
0x10: {  	[sflag:s10] =	ssyncset.done $0x0  }
0x11: {  	[sflag:s10] =	ssyncadd.s32 $0xFFFFF800  }
0x12: {  	s25 =	simm.s32 $0x10;
	s24 =	simm.s32 $0x0;
	s26 =	simm.s32 $0x0;
	v2 =	vld [tilespmem:s9+$0x0]  }
.LBB2_2:
0x13: {  	p0 =	sne.s32 s25, $0x7F0;
	_ =	sdelay $0x3  }
0x14: {  	v2 =	vshll.u32 v2, $0xB  }
0x15: {  	v2 =	vadd.s32 s24, v2;
	s24 =	smov.u32 s25  }
0x16: {  	v2 =	vadd.s32 v0, v2  }
0x17: {  	(xrf1) =	vsort.ascd.msk.u32 $0xffff, v2, v2;
	_ =	sdelay $0xd  }
0x18: {  	v2, _, _ =	vpop (xrf1)  }
0x19: {  	v3 =	vshrl.u32 v2, $0xB  }
0x1a: {  	v4 =	vperm.xlane v3, v1;
	_ =	sdelay $0x1  }
0x1b: {  	vm1 =	vne.s32 v3, v4  }
0x1c: {  	vm1 =	vmor vm1, vm0;
	_ =	sdelay $0x2  }
.Ltmp0:
0x1d: {  	(pc) =	sbr.rel @p0 .LBB2_2-.Ltmp0, $4  }
0x1e: {  	_ = 	snop  }
0x1f: {  	v2 =	vand.u32 $0x7FF, v2  }
0x20: {  	s26 =	sadd.s32 $0x10, s26;
	[tilespmem:v3+s11+$0x0] =	vst.idx.msk vm1, v2  }
0x21: {  	s25 =	sadd.s32 $0x10, s25;
	v2 =	vld [tilespmem:s26+$0x0]  }
0x22: {  	_ =	sdelay $0x3  }
0x23: {  	v2 =	vshll.u32 v2, $0xB  }
0x24: {  	v2 =	vadd.s32 s24, v2  }
0x25: {  	v2 =	vadd.s32 v0, v2  }
0x26: {  	(xrf1) =	vsort.ascd.msk.u32 $0xffff, v2, v2;
	_ =	sdelay $0xd  }
0x27: {  	v2, _, _ =	vpop (xrf1)  }
0x28: {  	v3 =	vshrl.u32 v2, $0xB  }
0x29: {  	v4 =	vperm.xlane v3, v1;
	_ =	sdelay $0x1  }
0x2a: {  	vm1 =	vne.s32 v3, v4  }
0x2b: {  	vm1 =	vmor vm1, vm0;
	_ =	sdelay $0x4  }
0x2c: {  	v2 =	vand.u32 $0x7FF, v2  }
0x2d: {  	[tilespmem:v3+s11+$0x0] =	vst.idx.msk vm1, v2  }
0x2e: {  	v2 =	vld [tilespmem:s7+$0x0];
	_ =	sdelay $0x6  }
0x2f: {  	[tilespmem:$0x8800] =	vst v2  }
0x30: {  	v2 =	vld.idx.msk [tilespmem:v2+s11+$0x0], $0xffff;
	_ =	sdelay $0x4  }
0x31: {  	[tilespmem:$0x8900] =	vst v2  }
0x32: {  	v2 =	vld [tilespmem:s7+$0x10];
	_ =	sdelay $0x6  }
0x33: {  	[tilespmem:$0x8810] =	vst v2  }
0x34: {  	v2 =	vld.idx.msk [tilespmem:v2+s11+$0x0], $0xffff;
	_ =	sdelay $0x4  }
0x35: {  	[tilespmem:$0x8910] =	vst v2  }
0x36: {  	v2 =	vld [tilespmem:s7+$0x20];
	_ =	sdelay $0x6  }
0x37: {  	[tilespmem:$0x8880] =	vst v2  }
0x38: {  	v2 =	vld.idx.msk [tilespmem:v2+s11+$0x0], $0xffff;
	_ =	sdelay $0x4  }
0x39: {  	[tilespmem:$0x8980] =	vst v2  }
0x3a: {  	v2 =	vld [tilespmem:s7+$0x30];
	_ =	sdelay $0x6  }
0x3b: {  	[tilespmem:$0x8890] =	vst v2  }
0x3c: {  	v2 =	vld.idx.msk [tilespmem:v2+s11+$0x0], $0xffff;
	_ =	sdelay $0x4  }
0x3d: {  	[tilespmem:$0x8990] =	vst v2  }
0x3e: {  	[tilespmem:s14], [sflag:$0x1] =	stream.indirect.gather [hbm4b:s0+s12], $0x400, s13, s12, $0xb8;
	[tilespmem:$0x18A00] =	vst v63  }
0x3f: {  	_ = 	snop  }
0x40: {  	[tilespmem:s16], [sflag:$0x2] =	stream.indirect.gather [hbm4b:s0+s12], $0x400, s15, s12, $0xb8;
	[tilespmem:$0x18A00] =	vst v63  }
0x41: {  	_ =	swait.ge [sflag:s17], $0x8000  }
0x42: {  	[sflag:s17] =	ssyncset.done $0x0  }
0x43: {  	[sflag:s17] =	ssyncadd.s32 $0xFFFF8000  }
0x44: {  	[hbm4b:s4+s12] =	stream.indirect.scatter [tilespmem:s14], [sflag:$0x3], $0x400, s18, s12, $0xb8;
	[tilespmem:$0x18A00] =	vst v63  }
0x45: {  	_ =	swait.ge [sflag:s19], $0x8000  }
0x46: {  	[sflag:s19] =	ssyncset.done $0x0  }
0x47: {  	[sflag:s19] =	ssyncadd.s32 $0xFFFF8000  }
0x48: {  	[tilespmem:s14], [sflag:$0x1] =	stream.indirect.gather [hbm4b:s1+s12], $0x400, s13, s12, $0xb8;
	[tilespmem:$0x18A00] =	vst v63  }
0x49: {  	_ =	swait.ge [sflag:s20], $0x8000  }
0x4a: {  	[sflag:s20] =	ssyncset.done $0x0  }
0x4b: {  	[sflag:s20] =	ssyncadd.s32 $0xFFFF8000  }
0x4c: {  	[hbm4b:s4+s12] =	stream.indirect.scatter [tilespmem:s16], [sflag:$0x4], $0x400, s21, s12, $0xb8;
	[tilespmem:$0x18A00] =	vst v63  }
0x4d: {  	_ =	swait.ge [sflag:s22], $0x8000  }
0x4e: {  	[sflag:s22] =	ssyncset.done $0x0  }
0x4f: {  	[sflag:s22] =	ssyncadd.s32 $0xFFFF8000  }
0x50: {  	[tilespmem:s16], [sflag:$0x2] =	stream.indirect.gather [hbm4b:s1+s12], $0x400, s15, s12, $0xb8;
	[tilespmem:$0x18A00] =	vst v63  }
0x51: {  	_ =	swait.ge [sflag:s17], $0x8000  }
0x52: {  	[sflag:s17] =	ssyncset.done $0x0  }
0x53: {  	[sflag:s17] =	ssyncadd.s32 $0xFFFF8000  }
0x54: {  	[hbm4b:s6+s12] =	stream.indirect.scatter [tilespmem:s14], [sflag:$0x3], $0x400, s18, s12, $0xb8;
	[tilespmem:$0x18A00] =	vst v63  }
0x55: {  	_ =	swait.ge [sflag:s20], $0x8000  }
0x56: {  	[sflag:s20] =	ssyncset.done $0x0  }
0x57: {  	s23 =	sadd.s32 $0x1, s23;
	[sflag:s20] =	ssyncadd.s32 $0xFFFF8000  }
0x58: {  	[hbm4b:s6+s12] =	stream.indirect.scatter [tilespmem:s16], [sflag:$0x4], $0x400, s21, s12, $0xb8;
	[tilespmem:$0x18A00] =	vst v63  }
0x59: {  	p0 =	sne.s32 s23, s8;
	_ =	swait.ge [sflag:s19], $0x8000  }
.Ltmp1:
0x5a: {  	[sflag:s19] =	ssyncset.done $0x0;
	(pc) =	sbr.rel @p0 .LBB2_1-.Ltmp1, $4  }
0x5b: {  	[sflag:s19] =	ssyncadd.s32 $0xFFFF8000  }
0x5c: {  	_ =	swait.ge [sflag:s22], $0x8000  }
0x5d: {  	[sflag:s22] =	ssyncset.done $0x0  }
0x5e: {  	[sflag:s22] =	ssyncadd.s32 $0xFFFF8000  }
0x5f: {  	_ =	sfence.sel $0x180000  }
0x60: {  	[bflag:$0x0] =	sbarrier.arrive $0xFFFF  }
0x61: {  	p0 =	sne.s32 s5, $0x0;
	_ =	strace $0x90000047  }
0x62: {  	s0 =	sadd.s32 @!p0 $0x100000, s2;
	[bflag:$0x2] =	sbarrier.arrive $0xFFFF  }
0x63: {  	[sflag:s0] =	ssyncadd.tile.s32 @!p0 $0x1;
	_ =	shalt  }
.Lfunc_end2:
_tile_overlayer_lowered:
.L_overlay_start_2:
0x64: {  	(tag) =	ssettag $0x2  }
0x65: {  	s0 =	rddreg [dreg:$0x0];
	s2 =	stileid.u32  }
0x66: {  	s1 =	rddreg [dreg:$0x1];
	p0 =	sne.s32 s2, $0x0  }
0x67: {  	s3 =	rddreg [dreg:$0x2];
	[bflag:$0x3] =	sbarrier.arrive $0xFFFF;
	s2 =	simm.s32 @!p0 $0x1C05  }
0x68: {  	[timem:s3], [sflag:s2] =	dma.local @!p0 [hbm:s0], s1  }
0x69: {  	s0 =	simm.s32 @!p0 $0x5  }
0x6a: {  	_ =	swait.ge @!p0 [sflag:s0], s1  }
0x6b: {  	s1 =	ssub.s32 @!p0 $0x0, s1;
	[sflag:s0] =	ssyncset.done @!p0 $0x0  }
0x6c: {  	[sflag:s0] =	ssyncadd.s32 @!p0 s1  }
0x6d: {  	[bflag:$0x3] =	sbarrier.arrive $0xFFFF  }
0x6e: {  	_ =	shalt  }

</sc_bundles>
